<compile_context>
chip_gen: v7x
topology: tpu7x:2x2x1
jax: 0.10.2.dev20260603
libtpu: 0.0.44.dev20260713+nightly
codegen_flags: <defaults>
</compile_context>

<pallas_src>
import functools

import jax
import jax.numpy as jnp
import numpy as np
from jax import lax
from jax.experimental import pallas as pl
from jax.experimental.pallas import tpu as pltpu
from jax.experimental.pallas import tpu_sc as plsc

EMB_SIZE = 1000000
EMB_DIM = 16
HIST = 50
BATCH = 16384
FC_IN = 800
FC_OUT = 5

N_IDX = BATCH * HIST
NC, NS = 2, 16
NW = NC * NS
PER_W = N_IDX // NW
CH = 1600
NBLK = PER_W // CH

FPAD = 896
NSLOT = BATCH * FPAD // EMB_DIM


def _gs_body(idx_hbm, dst_hbm, tbl_hbm, emb_hbm,
             idxv0, idxv1, dstv0, dstv1, rows0, rows1,
             gsem0, gsem1, wsem0, wsem1):
    wid = lax.axis_index("s") * NC + lax.axis_index("c")
    base = wid * PER_W
    idxv = (idxv0, idxv1)
    dstv = (dstv0, dstv1)
    rows = (rows0, rows1)
    gsems = (gsem0, gsem1)
    wsems = (wsem0, wsem1)

    def start_blk(g, d):
        off = base + g * CH
        pltpu.sync_copy(idx_hbm.at[pl.ds(off, CH)], idxv[d])
        pltpu.sync_copy(dst_hbm.at[pl.ds(off, CH)], dstv[d])
        pltpu.async_copy(tbl_hbm.at[idxv[d]], rows[d], gsems[d])

    start_blk(0, 0)

    def pair(p, carry):
        for d in range(2):
            g = 2 * p + d
            o = 1 - d

            @pl.when(g >= 1)
            def _():
                pltpu.make_async_copy(rows[o], emb_hbm.at[dstv[o]], wsems[o]).wait()

            @pl.when(g < NBLK - 1)
            def _():
                start_blk(g + 1, o)

            pltpu.make_async_copy(tbl_hbm.at[idxv[d]], rows[d], gsems[d]).wait()
            pltpu.async_copy(rows[d], emb_hbm.at[dstv[d]], wsems[d])
        return carry

    lax.fori_loop(0, NBLK // 2, pair, 0)
    pltpu.make_async_copy(rows[1], emb_hbm.at[dstv[1]], wsems[1]).wait()


def _sc_gather_scatter(idx_flat, dst, table):
    mesh = plsc.VectorSubcoreMesh(core_axis_name="c", subcore_axis_name="s")
    kern = functools.partial(
        pl.kernel,
        mesh=mesh,
        out_type=jax.ShapeDtypeStruct((NSLOT, EMB_DIM), jnp.float32),
        scratch_types=[
            pltpu.VMEM((CH,), jnp.int32),
            pltpu.VMEM((CH,), jnp.int32),
            pltpu.VMEM((CH,), jnp.int32),
            pltpu.VMEM((CH,), jnp.int32),
            pltpu.VMEM((CH, EMB_DIM), jnp.float32),
            pltpu.VMEM((CH, EMB_DIM), jnp.float32),
            pltpu.SemaphoreType.DMA,
            pltpu.SemaphoreType.DMA,
            pltpu.SemaphoreType.DMA,
            pltpu.SemaphoreType.DMA,
        ],
        compiler_params=pltpu.CompilerParams(
            use_tc_tiling_on_sc=False, needs_layout_passes=False),
    )(_gs_body)
    return kern(idx_flat, dst, table)


_BI = 4096
_BR = _BI * FPAD // 128
_NTC = 7


def _dense_body(e_ref, w_ref, b_ref, o_ref):
    e4 = e_ref[...].reshape(_BI // 8, _NTC, 8, 128)
    lanes = lax.broadcasted_iota(jnp.int32, (_BI, 128), 1)
    logits = jnp.broadcast_to(b_ref[...], (_BI, 128))
    for tc in range(_NTC):
        a = e4[:, tc].reshape(_BI, 128)
        if tc == _NTC - 1:
            a = jnp.where(lanes < 32, a, 0.0)
        logits = logits + jnp.dot(a, w_ref[tc],
                                  preferred_element_type=jnp.float32)
    m = jnp.max(logits, axis=1, keepdims=True)
    ex = jnp.exp(logits - m)
    o = ex / jnp.sum(ex, axis=1, keepdims=True)
    o_ref[...] = o[:, :FC_OUT]


def _tc_dense(emb_rows, w_pad, b_pad):
    return pl.pallas_call(
        _dense_body,
        grid=(BATCH // _BI,),
        in_specs=[
            pl.BlockSpec((_BR, 128), lambda i: (i, 0)),
            pl.BlockSpec((_NTC, 128, 128), lambda i: (0, 0, 0)),
            pl.BlockSpec((1, 128), lambda i: (0, 0)),
        ],
        out_specs=pl.BlockSpec((_BI, FC_OUT), lambda i: (i, 0)),
        out_shape=jax.ShapeDtypeStruct((BATCH, FC_OUT), jnp.float32),
        compiler_params=pltpu.CompilerParams(vmem_limit_bytes=100 * 1024 * 1024),
    )(emb_rows, w_pad, b_pad)


def _w_maps():
    tc = np.arange(_NTC)[:, None]
    l = np.arange(128)[None, :]
    h = tc * 8 + l // EMB_DIM
    p = h * EMB_DIM + l % EMB_DIM
    valid = h < HIST
    return np.where(valid, p, 0).astype(np.int32), \
        valid.astype(np.float32)[:, :, None]


_WPERM, _WMASK = _w_maps()

_TBK = 65536
_TW = _TBK // 8
_TGRID = 16
_VPAD = _TGRID * _TBK
_XBK = N_IDX // 128 // _TGRID



def _tr_body(tt_ref, x_ref, out_ref, xo_ref, dst_ref):
    stacked = jnp.concatenate(
        [tt_ref[:, s * _TW:(s + 1) * _TW] for s in range(8)], axis=0
    )
    out_ref[...] = stacked.T
    v = x_ref[...]
    band = v & ~(_TBK - 1)
    rem = v - band
    xo_ref[...] = band + ((rem & (_TW - 1)) << 3) + (rem >> 13)
    i = (pl.program_id(0) * _XBK * 128
         + lax.broadcasted_iota(jnp.int32, (_XBK, 128), 0) * 128
         + lax.broadcasted_iota(jnp.int32, (_XBK, 128), 1))
    bq = jnp.floor((i.astype(jnp.float32) + 0.5) * (1.0 / HIST)).astype(jnp.int32)
    h = i - HIST * bq
    dst_ref[...] = ((((bq >> 3) * _NTC + (h >> 3)) << 6)
                    + ((bq & 7) << 3) + (h & 7))


def _tc_relayout(table_t, x2):
    flat, xr, dst = pl.pallas_call(
        _tr_body,
        grid=(_TGRID,),
        in_specs=[
            pl.BlockSpec((EMB_DIM, _TBK), lambda i: (0, i)),
            pl.BlockSpec((_XBK, 128), lambda i: (i, 0)),
        ],
        out_specs=[
            pl.BlockSpec((_TW, 128), lambda i: (i, 0)),
            pl.BlockSpec((_XBK, 128), lambda i: (i, 0)),
            pl.BlockSpec((_XBK, 128), lambda i: (i, 0)),
        ],
        out_shape=[
            jax.ShapeDtypeStruct((_VPAD * EMB_DIM // 128, 128), jnp.float32),
            jax.ShapeDtypeStruct((N_IDX // 128, 128), jnp.int32),
            jax.ShapeDtypeStruct((N_IDX // 128, 128), jnp.int32),
        ],
        compiler_params=pltpu.CompilerParams(vmem_limit_bytes=100 * 1024 * 1024),
    )(table_t, x2)
    return (flat.reshape(_VPAD, EMB_DIM), xr.reshape(N_IDX),
            dst.reshape(N_IDX))


def kernel(x, table, W, b):
    x2 = x.reshape(-1).astype(jnp.int32).reshape(N_IDX // 128, 128)
    table_rm, idx_flat, dst = _tc_relayout(table.T, x2)
    emb = _sc_gather_scatter(idx_flat, dst, table_rm)
    emb_rows = emb.reshape(BATCH * FPAD // 128, 128)
    w_pad = jnp.pad((W.T[_WPERM] * _WMASK),
                    ((0, 0), (0, 0), (0, 128 - FC_OUT)))
    b_pad = jnp.concatenate(
        [b, jnp.full((128 - FC_OUT,), -1e30, jnp.float32)]).reshape(1, 128)
    return _tc_dense(emb_rows, w_pad, b_pad)

# --- scband reference (transcript-rebuilt; emitter-appended) ---
"""Pipeline reference for scband-emb-net-25280177504562 (READ-ONLY COPY).

The authoritative reference and input builder live on the scoring server;
editing this copy changes nothing except your own understanding.
"""

import jax, jax.numpy as jnp
import numpy as np

EMB_SIZE = 1000000
EMB_DIM = 16
HIST = 50
BATCH = 16384
FC_IN = 800
FC_OUT = 5

def setup_inputs(seed: int = 0) -> dict:
    key = jax.random.key(seed)
    k1, k2, k3, k4 = jax.random.split(key, 4)
    x = jax.random.randint(k1, (BATCH, HIST), 0, EMB_SIZE, dtype=jnp.int64 if jax.config.jax_enable_x64 else jnp.int32)
    table = jax.random.normal(k2, (EMB_SIZE, EMB_DIM), dtype=jnp.float32)
    # nn.Linear default init: U(-1/sqrt(fan_in), 1/sqrt(fan_in))
    bound = 1.0 / np.sqrt(FC_IN)
    W = jax.random.uniform(k3, (FC_OUT, FC_IN), minval=-bound, maxval=bound, dtype=jnp.float32)
    b = jax.random.uniform(k4, (FC_OUT,), minval=-bound, maxval=bound, dtype=jnp.float32)
    return {"x": x, "table": table, "W": W, "b": b}

def reference(x, table, W, b):
    embeds = jnp.take(table, x, axis=0)            # [B, HIST, EMB_DIM]
    embeds = embeds.reshape(x.shape[0], -1)         # [B, 800]
    out = embeds @ W.T + b                          # [B, 5]
    out = jax.nn.softmax(out, axis=1)
    return out

if __name__ == "__main__":
    import jax
    _d = setup_inputs()
    print(jax.jit(kernel)(*tuple(_d.values())))

</pallas_src>

<mosaic_0001>
#map = affine_map<(d0, d1) -> (0)>
#map1 = affine_map<(d0, d1) -> (0, 0)>
module attributes {stable_mosaic.version = 14 : i64} {
  func.func @_gs_body(%arg0: i32, %arg1: i32, %arg2: memref<819200xi32, #tpu.memory_space<hbm>>, %arg3: memref<819200xi32, #tpu.memory_space<hbm>>, %arg4: memref<1048576x16xf32, #tpu.memory_space<hbm>>, %arg5: memref<917504x16xf32, #tpu.memory_space<hbm>>, %arg6: memref<1600xi32, #tpu.memory_space<vmem>>, %arg7: memref<1600xi32, #tpu.memory_space<vmem>>, %arg8: memref<1600xi32, #tpu.memory_space<vmem>>, %arg9: memref<1600xi32, #tpu.memory_space<vmem>>, %arg10: memref<1600x16xf32, #tpu.memory_space<vmem>>, %arg11: memref<1600x16xf32, #tpu.memory_space<vmem>>, %arg12: memref<!tpu.dma_semaphore, #tpu.memory_space<semaphore_mem>>, %arg13: memref<!tpu.dma_semaphore, #tpu.memory_space<semaphore_mem>>, %arg14: memref<!tpu.dma_semaphore, #tpu.memory_space<semaphore_mem>>, %arg15: memref<!tpu.dma_semaphore, #tpu.memory_space<semaphore_mem>>) attributes {dimension_semantics = [#tpu.dimension_semantics<core_parallel>, #tpu.dimension_semantics<subcore_parallel>], iteration_bounds = array<i64: 2, 16>, scalar_prefetch = 0 : i64, scratch_operands = 10 : i64, tpu.core_type = #tpu.core_type<sc_vector_subcore>, window_params = [{transform_indices = #map}, {transform_indices = #map}, {transform_indices = #map1}, {transform_indices = #map1}]} {
    %mul3A = arith.constant 2 : i32
    %mul3A_0 = arith.muli %arg1, %mul3A : i32
    %add3A = arith.addi %mul3A_0, %arg0 : i32
    %mul3A_1 = arith.constant 25600 : i32
    %mul3A_2 = arith.muli %add3A, %mul3A_1 : i32
    %add3A_3 = arith.constant 0 : i32
    %add3A_4 = arith.addi %mul3A_2, %add3A_3 : i32
    "tpu.region"() ({
      %run_scoped3A = tpu.sem_alloc : memref<!tpu.dma_semaphore, #tpu.memory_space<semaphore_mem>>
      %dma_start3A_14 = tpu.memref_slice %arg2[%add3A_4] : memref<819200xi32, #tpu.memory_space<hbm>> -> memref<1600xi32, #tpu.memory_space<hbm>>
      %dma_start3A_15 = tpu.memref_slice %arg2[%add3A_4] : memref<819200xi32, #tpu.memory_space<hbm>> -> memref<1600xi32, #tpu.memory_space<hbm>>
      tpu.enqueue_dma source(%dma_start3A_15 : memref<1600xi32, #tpu.memory_space<hbm>>) target(%arg6 : memref<1600xi32, #tpu.memory_space<vmem>>) target_semaphore(%run_scoped3A : memref<!tpu.dma_semaphore, #tpu.memory_space<semaphore_mem>>)
      %dma_wait3A_16 = tpu.memref_slice %arg2[%add3A_4] : memref<819200xi32, #tpu.memory_space<hbm>> -> memref<1600xi32, #tpu.memory_space<hbm>>
      %dma_wait3A_17 = tpu.memref_slice %arg2[%add3A_4] : memref<819200xi32, #tpu.memory_space<hbm>> -> memref<1600xi32, #tpu.memory_space<hbm>>
      tpu.wait_dma2 semaphore(%run_scoped3A : memref<!tpu.dma_semaphore, #tpu.memory_space<semaphore_mem>>) src(%dma_wait3A_17 : memref<1600xi32, #tpu.memory_space<hbm>>) dst(%arg6 : memref<1600xi32, #tpu.memory_space<vmem>>)
      tpu.yield
    }) : () -> ()
    "tpu.region"() ({
      %run_scoped3A = tpu.sem_alloc : memref<!tpu.dma_semaphore, #tpu.memory_space<semaphore_mem>>
      %dma_start3A_14 = tpu.memref_slice %arg3[%add3A_4] : memref<819200xi32, #tpu.memory_space<hbm>> -> memref<1600xi32, #tpu.memory_space<hbm>>
      %dma_start3A_15 = tpu.memref_slice %arg3[%add3A_4] : memref<819200xi32, #tpu.memory_space<hbm>> -> memref<1600xi32, #tpu.memory_space<hbm>>
      tpu.enqueue_dma source(%dma_start3A_15 : memref<1600xi32, #tpu.memory_space<hbm>>) target(%arg8 : memref<1600xi32, #tpu.memory_space<vmem>>) target_semaphore(%run_scoped3A : memref<!tpu.dma_semaphore, #tpu.memory_space<semaphore_mem>>)
      %dma_wait3A_16 = tpu.memref_slice %arg3[%add3A_4] : memref<819200xi32, #tpu.memory_space<hbm>> -> memref<1600xi32, #tpu.memory_space<hbm>>
      %dma_wait3A_17 = tpu.memref_slice %arg3[%add3A_4] : memref<819200xi32, #tpu.memory_space<hbm>> -> memref<1600xi32, #tpu.memory_space<hbm>>
      tpu.wait_dma2 semaphore(%run_scoped3A : memref<!tpu.dma_semaphore, #tpu.memory_space<semaphore_mem>>) src(%dma_wait3A_17 : memref<1600xi32, #tpu.memory_space<hbm>>) dst(%arg8 : memref<1600xi32, #tpu.memory_space<vmem>>)
      tpu.yield
    }) : () -> ()
    %dma_start3A = arith.constant 0 : i32
    %dma_start3A_5 = arith.constant 0 : i32
    %dma_start3A_6 = tpu.memref_slice %arg4[%dma_start3A, %dma_start3A_5] : memref<1048576x16xf32, #tpu.memory_space<hbm>> -> memref<1048576x16xf32, #tpu.memory_space<hbm>>
    tpu.enqueue_indirect_dma source(%dma_start3A_6 : memref<1048576x16xf32, #tpu.memory_space<hbm>>) target(%arg10 : memref<1600x16xf32, #tpu.memory_space<vmem>>) offsets(%arg6 : memref<1600xi32, #tpu.memory_space<vmem>>) semaphore(%arg12 : memref<!tpu.dma_semaphore, #tpu.memory_space<semaphore_mem>>)
    %scan3A = arith.constant 0 : i32
    %scan3A_7 = arith.constant 0 : i32
    %scan3A_8 = arith.constant 8 : i32
    %scan3A_9 = arith.addi %scan3A_7, %scan3A_8 : i32
    %scan3A_10 = arith.constant 1 : i32
    scf.for %scan3A_14 = %scan3A_7 to %scan3A_9 step %scan3A_10  : i32 {
      %mul3A_15 = arith.constant 2 : i32
      %mul3A_16 = arith.muli %mul3A_15, %scan3A_14 : i32
      %add3A_17 = arith.constant 0 : i32
      %add3A_18 = arith.addi %mul3A_16, %add3A_17 : i32
      %ge3A = arith.constant 1 : i32
      %ge3A_19 = arith.cmpi sge, %add3A_18, %ge3A : i32
      %convert_element_type3A = arith.extui %ge3A_19 : i1 to i32
      %cond3A = arith.constant 0 : i32
      %cond3A_20 = arith.cmpi ne, %convert_element_type3A, %cond3A : i32
      scf.if %cond3A_20 {
        %dma_wait3A_51 = arith.constant 0 : i32
        %dma_wait3A_52 = arith.constant 0 : i32
        %dma_wait3A_53 = tpu.memref_slice %arg5[%dma_wait3A_51, %dma_wait3A_52] : memref<917504x16xf32, #tpu.memory_space<hbm>> -> memref<917504x16xf32, #tpu.memory_space<hbm>>
        tpu.wait_indirect_dma semaphore(%arg15 : memref<!tpu.dma_semaphore, #tpu.memory_space<semaphore_mem>>) src(%arg11 : memref<1600x16xf32, #tpu.memory_space<vmem>>) dst(%dma_wait3A_53 : memref<917504x16xf32, #tpu.memory_space<hbm>>)
      } else {
      }
      %lt3A = arith.constant 15 : i32
      %lt3A_21 = arith.cmpi slt, %add3A_18, %lt3A : i32
      %convert_element_type3A_22 = arith.extui %lt3A_21 : i1 to i32
      %cond3A_23 = arith.constant 0 : i32
      %cond3A_24 = arith.cmpi ne, %convert_element_type3A_22, %cond3A_23 : i32
      scf.if %cond3A_24 {
        %add3A_51 = arith.constant 1 : i32
        %add3A_52 = arith.addi %add3A_18, %add3A_51 : i32
        %mul3A_53 = arith.constant 1600 : i32
        %mul3A_54 = arith.muli %add3A_52, %mul3A_53 : i32
        %add3A_55 = arith.addi %mul3A_2, %mul3A_54 : i32
        "tpu.region"() ({
          %run_scoped3A = tpu.sem_alloc : memref<!tpu.dma_semaphore, #tpu.memory_space<semaphore_mem>>
          %dma_start3A_59 = tpu.memref_slice %arg2[%add3A_55] : memref<819200xi32, #tpu.memory_space<hbm>> -> memref<1600xi32, #tpu.memory_space<hbm>>
          %dma_start3A_60 = tpu.memref_slice %arg2[%add3A_55] : memref<819200xi32, #tpu.memory_space<hbm>> -> memref<1600xi32, #tpu.memory_space<hbm>>
          tpu.enqueue_dma source(%dma_start3A_60 : memref<1600xi32, #tpu.memory_space<hbm>>) target(%arg7 : memref<1600xi32, #tpu.memory_space<vmem>>) target_semaphore(%run_scoped3A : memref<!tpu.dma_semaphore, #tpu.memory_space<semaphore_mem>>)
          %dma_wait3A_61 = tpu.memref_slice %arg2[%add3A_55] : memref<819200xi32, #tpu.memory_space<hbm>> -> memref<1600xi32, #tpu.memory_space<hbm>>
          %dma_wait3A_62 = tpu.memref_slice %arg2[%add3A_55] : memref<819200xi32, #tpu.memory_space<hbm>> -> memref<1600xi32, #tpu.memory_space<hbm>>
          tpu.wait_dma2 semaphore(%run_scoped3A : memref<!tpu.dma_semaphore, #tpu.memory_space<semaphore_mem>>) src(%dma_wait3A_62 : memref<1600xi32, #tpu.memory_space<hbm>>) dst(%arg7 : memref<1600xi32, #tpu.memory_space<vmem>>)
          tpu.yield
        }) : () -> ()
        "tpu.region"() ({
          %run_scoped3A = tpu.sem_alloc : memref<!tpu.dma_semaphore, #tpu.memory_space<semaphore_mem>>
          %dma_start3A_59 = tpu.memref_slice %arg3[%add3A_55] : memref<819200xi32, #tpu.memory_space<hbm>> -> memref<1600xi32, #tpu.memory_space<hbm>>
          %dma_start3A_60 = tpu.memref_slice %arg3[%add3A_55] : memref<819200xi32, #tpu.memory_space<hbm>> -> memref<1600xi32, #tpu.memory_space<hbm>>
          tpu.enqueue_dma source(%dma_start3A_60 : memref<1600xi32, #tpu.memory_space<hbm>>) target(%arg9 : memref<1600xi32, #tpu.memory_space<vmem>>) target_semaphore(%run_scoped3A : memref<!tpu.dma_semaphore, #tpu.memory_space<semaphore_mem>>)
          %dma_wait3A_61 = tpu.memref_slice %arg3[%add3A_55] : memref<819200xi32, #tpu.memory_space<hbm>> -> memref<1600xi32, #tpu.memory_space<hbm>>
          %dma_wait3A_62 = tpu.memref_slice %arg3[%add3A_55] : memref<819200xi32, #tpu.memory_space<hbm>> -> memref<1600xi32, #tpu.memory_space<hbm>>
          tpu.wait_dma2 semaphore(%run_scoped3A : memref<!tpu.dma_semaphore, #tpu.memory_space<semaphore_mem>>) src(%dma_wait3A_62 : memref<1600xi32, #tpu.memory_space<hbm>>) dst(%arg9 : memref<1600xi32, #tpu.memory_space<vmem>>)
          tpu.yield
        }) : () -> ()
        %dma_start3A_56 = arith.constant 0 : i32
        %dma_start3A_57 = arith.constant 0 : i32
        %dma_start3A_58 = tpu.memref_slice %arg4[%dma_start3A_56, %dma_start3A_57] : memref<1048576x16xf32, #tpu.memory_space<hbm>> -> memref<1048576x16xf32, #tpu.memory_space<hbm>>
        tpu.enqueue_indirect_dma source(%dma_start3A_58 : memref<1048576x16xf32, #tpu.memory_space<hbm>>) target(%arg11 : memref<1600x16xf32, #tpu.memory_space<vmem>>) offsets(%arg7 : memref<1600xi32, #tpu.memory_space<vmem>>) semaphore(%arg13 : memref<!tpu.dma_semaphore, #tpu.memory_space<semaphore_mem>>)
      } else {
      }
      %dma_wait3A_25 = arith.constant 0 : i32
      %dma_wait3A_26 = arith.constant 0 : i32
      %dma_wait3A_27 = tpu.memref_slice %arg4[%dma_wait3A_25, %dma_wait3A_26] : memref<1048576x16xf32, #tpu.memory_space<hbm>> -> memref<1048576x16xf32, #tpu.memory_space<hbm>>
      tpu.wait_indirect_dma semaphore(%arg12 : memref<!tpu.dma_semaphore, #tpu.memory_space<semaphore_mem>>) src(%dma_wait3A_27 : memref<1048576x16xf32, #tpu.memory_space<hbm>>) dst(%arg10 : memref<1600x16xf32, #tpu.memory_space<vmem>>)
      %dma_start3A_28 = arith.constant 0 : i32
      %dma_start3A_29 = arith.constant 0 : i32
      %dma_start3A_30 = tpu.memref_slice %arg5[%dma_start3A_28, %dma_start3A_29] : memref<917504x16xf32, #tpu.memory_space<hbm>> -> memref<917504x16xf32, #tpu.memory_space<hbm>>
      tpu.enqueue_indirect_dma source(%arg10 : memref<1600x16xf32, #tpu.memory_space<vmem>>) target(%dma_start3A_30 : memref<917504x16xf32, #tpu.memory_space<hbm>>) offsets(%arg8 : memref<1600xi32, #tpu.memory_space<vmem>>) semaphore(%arg14 : memref<!tpu.dma_semaphore, #tpu.memory_space<semaphore_mem>>)
      %mul3A_31 = arith.constant 2 : i32
      %mul3A_32 = arith.muli %mul3A_31, %scan3A_14 : i32
      %add3A_33 = arith.constant 1 : i32
      %add3A_34 = arith.addi %mul3A_32, %add3A_33 : i32
      %ge3A_35 = arith.constant 1 : i32
      %ge3A_36 = arith.cmpi sge, %add3A_34, %ge3A_35 : i32
      %convert_element_type3A_37 = arith.extui %ge3A_36 : i1 to i32
      %cond3A_38 = arith.constant 0 : i32
      %cond3A_39 = arith.cmpi ne, %convert_element_type3A_37, %cond3A_38 : i32
      scf.if %cond3A_39 {
        %dma_wait3A_51 = arith.constant 0 : i32
        %dma_wait3A_52 = arith.constant 0 : i32
        %dma_wait3A_53 = tpu.memref_slice %arg5[%dma_wait3A_51, %dma_wait3A_52] : memref<917504x16xf32, #tpu.memory_space<hbm>> -> memref<917504x16xf32, #tpu.memory_space<hbm>>
        tpu.wait_indirect_dma semaphore(%arg14 : memref<!tpu.dma_semaphore, #tpu.memory_space<semaphore_mem>>) src(%arg10 : memref<1600x16xf32, #tpu.memory_space<vmem>>) dst(%dma_wait3A_53 : memref<917504x16xf32, #tpu.memory_space<hbm>>)
      } else {
      }
      %lt3A_40 = arith.constant 15 : i32
      %lt3A_41 = arith.cmpi slt, %add3A_34, %lt3A_40 : i32
      %convert_element_type3A_42 = arith.extui %lt3A_41 : i1 to i32
      %cond3A_43 = arith.constant 0 : i32
      %cond3A_44 = arith.cmpi ne, %convert_element_type3A_42, %cond3A_43 : i32
      scf.if %cond3A_44 {
        %add3A_51 = arith.constant 1 : i32
        %add3A_52 = arith.addi %add3A_34, %add3A_51 : i32
        %mul3A_53 = arith.constant 1600 : i32
        %mul3A_54 = arith.muli %add3A_52, %mul3A_53 : i32
        %add3A_55 = arith.addi %mul3A_2, %mul3A_54 : i32
        "tpu.region"() ({
          %run_scoped3A = tpu.sem_alloc : memref<!tpu.dma_semaphore, #tpu.memory_space<semaphore_mem>>
          %dma_start3A_59 = tpu.memref_slice %arg2[%add3A_55] : memref<819200xi32, #tpu.memory_space<hbm>> -> memref<1600xi32, #tpu.memory_space<hbm>>
          %dma_start3A_60 = tpu.memref_slice %arg2[%add3A_55] : memref<819200xi32, #tpu.memory_space<hbm>> -> memref<1600xi32, #tpu.memory_space<hbm>>
          tpu.enqueue_dma source(%dma_start3A_60 : memref<1600xi32, #tpu.memory_space<hbm>>) target(%arg6 : memref<1600xi32, #tpu.memory_space<vmem>>) target_semaphore(%run_scoped3A : memref<!tpu.dma_semaphore, #tpu.memory_space<semaphore_mem>>)
          %dma_wait3A_61 = tpu.memref_slice %arg2[%add3A_55] : memref<819200xi32, #tpu.memory_space<hbm>> -> memref<1600xi32, #tpu.memory_space<hbm>>
          %dma_wait3A_62 = tpu.memref_slice %arg2[%add3A_55] : memref<819200xi32, #tpu.memory_space<hbm>> -> memref<1600xi32, #tpu.memory_space<hbm>>
          tpu.wait_dma2 semaphore(%run_scoped3A : memref<!tpu.dma_semaphore, #tpu.memory_space<semaphore_mem>>) src(%dma_wait3A_62 : memref<1600xi32, #tpu.memory_space<hbm>>) dst(%arg6 : memref<1600xi32, #tpu.memory_space<vmem>>)
          tpu.yield
        }) : () -> ()
        "tpu.region"() ({
          %run_scoped3A = tpu.sem_alloc : memref<!tpu.dma_semaphore, #tpu.memory_space<semaphore_mem>>
          %dma_start3A_59 = tpu.memref_slice %arg3[%add3A_55] : memref<819200xi32, #tpu.memory_space<hbm>> -> memref<1600xi32, #tpu.memory_space<hbm>>
          %dma_start3A_60 = tpu.memref_slice %arg3[%add3A_55] : memref<819200xi32, #tpu.memory_space<hbm>> -> memref<1600xi32, #tpu.memory_space<hbm>>
          tpu.enqueue_dma source(%dma_start3A_60 : memref<1600xi32, #tpu.memory_space<hbm>>) target(%arg8 : memref<1600xi32, #tpu.memory_space<vmem>>) target_semaphore(%run_scoped3A : memref<!tpu.dma_semaphore, #tpu.memory_space<semaphore_mem>>)
          %dma_wait3A_61 = tpu.memref_slice %arg3[%add3A_55] : memref<819200xi32, #tpu.memory_space<hbm>> -> memref<1600xi32, #tpu.memory_space<hbm>>
          %dma_wait3A_62 = tpu.memref_slice %arg3[%add3A_55] : memref<819200xi32, #tpu.memory_space<hbm>> -> memref<1600xi32, #tpu.memory_space<hbm>>
          tpu.wait_dma2 semaphore(%run_scoped3A : memref<!tpu.dma_semaphore, #tpu.memory_space<semaphore_mem>>) src(%dma_wait3A_62 : memref<1600xi32, #tpu.memory_space<hbm>>) dst(%arg8 : memref<1600xi32, #tpu.memory_space<vmem>>)
          tpu.yield
        }) : () -> ()
        %dma_start3A_56 = arith.constant 0 : i32
        %dma_start3A_57 = arith.constant 0 : i32
        %dma_start3A_58 = tpu.memref_slice %arg4[%dma_start3A_56, %dma_start3A_57] : memref<1048576x16xf32, #tpu.memory_space<hbm>> -> memref<1048576x16xf32, #tpu.memory_space<hbm>>
        tpu.enqueue_indirect_dma source(%dma_start3A_58 : memref<1048576x16xf32, #tpu.memory_space<hbm>>) target(%arg10 : memref<1600x16xf32, #tpu.memory_space<vmem>>) offsets(%arg6 : memref<1600xi32, #tpu.memory_space<vmem>>) semaphore(%arg12 : memref<!tpu.dma_semaphore, #tpu.memory_space<semaphore_mem>>)
      } else {
      }
      %dma_wait3A_45 = arith.constant 0 : i32
      %dma_wait3A_46 = arith.constant 0 : i32
      %dma_wait3A_47 = tpu.memref_slice %arg4[%dma_wait3A_45, %dma_wait3A_46] : memref<1048576x16xf32, #tpu.memory_space<hbm>> -> memref<1048576x16xf32, #tpu.memory_space<hbm>>
      tpu.wait_indirect_dma semaphore(%arg13 : memref<!tpu.dma_semaphore, #tpu.memory_space<semaphore_mem>>) src(%dma_wait3A_47 : memref<1048576x16xf32, #tpu.memory_space<hbm>>) dst(%arg11 : memref<1600x16xf32, #tpu.memory_space<vmem>>)
      %dma_start3A_48 = arith.constant 0 : i32
      %dma_start3A_49 = arith.constant 0 : i32
      %dma_start3A_50 = tpu.memref_slice %arg5[%dma_start3A_48, %dma_start3A_49] : memref<917504x16xf32, #tpu.memory_space<hbm>> -> memref<917504x16xf32, #tpu.memory_space<hbm>>
      tpu.enqueue_indirect_dma source(%arg11 : memref<1600x16xf32, #tpu.memory_space<vmem>>) target(%dma_start3A_50 : memref<917504x16xf32, #tpu.memory_space<hbm>>) offsets(%arg9 : memref<1600xi32, #tpu.memory_space<vmem>>) semaphore(%arg15 : memref<!tpu.dma_semaphore, #tpu.memory_space<semaphore_mem>>)
    }
    %scan3A_11 = arith.constant 8 : i32
    %dma_wait3A = arith.constant 0 : i32
    %dma_wait3A_12 = arith.constant 0 : i32
    %dma_wait3A_13 = tpu.memref_slice %arg5[%dma_wait3A, %dma_wait3A_12] : memref<917504x16xf32, #tpu.memory_space<hbm>> -> memref<917504x16xf32, #tpu.memory_space<hbm>>
    tpu.wait_indirect_dma semaphore(%arg15 : memref<!tpu.dma_semaphore, #tpu.memory_space<semaphore_mem>>) src(%arg11 : memref<1600x16xf32, #tpu.memory_space<vmem>>) dst(%dma_wait3A_13 : memref<917504x16xf32, #tpu.memory_space<hbm>>)
    return
  }
}

module attributes {stable_mosaic.version = 14 : i64} {
  func.func @_tr_body(%arg0: i32, %arg1: memref<16x65536xf32, #tpu.memory_space<vmem>>, %arg2: memref<400x128xi32, #tpu.memory_space<vmem>>, %arg3: memref<8192x128xf32, #tpu.memory_space<vmem>>, %arg4: memref<400x128xi32, #tpu.memory_space<vmem>>, %arg5: memref<400x128xi32, #tpu.memory_space<vmem>>) attributes {dimension_semantics = [#tpu.dimension_semantics<arbitrary>], iteration_bounds = array<i64: 16>, scalar_prefetch = 0 : i64, scratch_operands = 0 : i64, tpu.core_type = #tpu.core_type<tc>, window_params = [{transform_indices = @transform_0, window_bounds = array<i64: 16, 65536>}, {transform_indices = @transform_1, window_bounds = array<i64: 400, 128>}, {transform_indices = @transform_2, window_bounds = array<i64: 8192, 128>}, {transform_indices = @transform_3, window_bounds = array<i64: 400, 128>}, {transform_indices = @transform_4, window_bounds = array<i64: 400, 128>}]} {
    %get3A = arith.constant 0 : index
    %get3A_0 = arith.constant 0 : index
    %get3A_1 = vector.load %arg1[%get3A, %get3A_0] : memref<16x65536xf32, #tpu.memory_space<vmem>>, vector<16x8192xf32>
    %get3A_2 = arith.constant 0 : index
    %get3A_3 = arith.constant 8192 : index
    %get3A_4 = vector.load %arg1[%get3A_2, %get3A_3] : memref<16x65536xf32, #tpu.memory_space<vmem>>, vector<16x8192xf32>
    %get3A_5 = arith.constant 0 : index
    %get3A_6 = arith.constant 16384 : index
    %get3A_7 = vector.load %arg1[%get3A_5, %get3A_6] : memref<16x65536xf32, #tpu.memory_space<vmem>>, vector<16x8192xf32>
    %get3A_8 = arith.constant 0 : index
    %get3A_9 = arith.constant 24576 : index
    %get3A_10 = vector.load %arg1[%get3A_8, %get3A_9] : memref<16x65536xf32, #tpu.memory_space<vmem>>, vector<16x8192xf32>
    %get3A_11 = arith.constant 0 : index
    %get3A_12 = arith.constant 32768 : index
    %get3A_13 = vector.load %arg1[%get3A_11, %get3A_12] : memref<16x65536xf32, #tpu.memory_space<vmem>>, vector<16x8192xf32>
    %get3A_14 = arith.constant 0 : index
    %get3A_15 = arith.constant 40960 : index
    %get3A_16 = vector.load %arg1[%get3A_14, %get3A_15] : memref<16x65536xf32, #tpu.memory_space<vmem>>, vector<16x8192xf32>
    %get3A_17 = arith.constant 0 : index
    %get3A_18 = arith.constant 49152 : index
    %get3A_19 = vector.load %arg1[%get3A_17, %get3A_18] : memref<16x65536xf32, #tpu.memory_space<vmem>>, vector<16x8192xf32>
    %get3A_20 = arith.constant 0 : index
    %get3A_21 = arith.constant 57344 : index
    %get3A_22 = vector.load %arg1[%get3A_20, %get3A_21] : memref<16x65536xf32, #tpu.memory_space<vmem>>, vector<16x8192xf32>
    %concatenate3A = tpu.concatenate %get3A_1, %get3A_4, %get3A_7, %get3A_10, %get3A_13, %get3A_16, %get3A_19, %get3A_22 in 0 : vector<16x8192xf32>, vector<16x8192xf32>, vector<16x8192xf32>, vector<16x8192xf32>, vector<16x8192xf32>, vector<16x8192xf32>, vector<16x8192xf32>, vector<16x8192xf32> -> vector<128x8192xf32>
    %transpose3A = tpu.transpose %concatenate3A, [1, 0] : vector<128x8192xf32> -> vector<8192x128xf32>
    %swap3A = arith.constant 0 : index
    %swap3A_23 = arith.constant 0 : index
    %swap3A_24 = vector.load %arg3[%swap3A, %swap3A_23] : memref<8192x128xf32, #tpu.memory_space<vmem>>, vector<8192x128xf32>
    tpu.vector_store %arg3[%swap3A, %swap3A_23], %transpose3A {strides = array<i32>} : memref<8192x128xf32, #tpu.memory_space<vmem>>, vector<8192x128xf32>,
    %get3A_25 = arith.constant 0 : index
    %get3A_26 = arith.constant 0 : index
    %get3A_27 = vector.load %arg2[%get3A_25, %get3A_26] : memref<400x128xi32, #tpu.memory_space<vmem>>, vector<400x128xi32>
    %and3A = arith.constant -65536 : i32
    %and3A_28 = vector.broadcast %and3A : i32 to vector<400x128xi32>
    %and3A_29 = arith.andi %get3A_27, %and3A_28 : vector<400x128xi32>
    %sub3A = arith.subi %get3A_27, %and3A_29 : vector<400x128xi32>
    %and3A_30 = arith.constant 8191 : i32
    %and3A_31 = vector.broadcast %and3A_30 : i32 to vector<400x128xi32>
    %and3A_32 = arith.andi %sub3A, %and3A_31 : vector<400x128xi32>
    %shift_left3A = arith.constant 3 : i32
    %shift_left3A_33 = vector.broadcast %shift_left3A : i32 to vector<400x128xi32>
    %shift_left3A_34 = arith.shli %and3A_32, %shift_left3A_33 : vector<400x128xi32>
    %add3A = arith.addi %and3A_29, %shift_left3A_34 : vector<400x128xi32>
    %shift_right_arithmetic3A = arith.constant 13 : i32
    %shift_right_arithmetic3A_35 = vector.broadcast %shift_right_arithmetic3A : i32 to vector<400x128xi32>
    %shift_right_arithmetic3A_36 = arith.shrsi %sub3A, %shift_right_arithmetic3A_35 : vector<400x128xi32>
    %add3A_37 = arith.addi %add3A, %shift_right_arithmetic3A_36 : vector<400x128xi32>
    %swap3A_38 = arith.constant 0 : index
    %swap3A_39 = arith.constant 0 : index
    %swap3A_40 = vector.load %arg4[%swap3A_38, %swap3A_39] : memref<400x128xi32, #tpu.memory_space<vmem>>, vector<400x128xi32>
    tpu.vector_store %arg4[%swap3A_38, %swap3A_39], %add3A_37 {strides = array<i32>} : memref<400x128xi32, #tpu.memory_space<vmem>>, vector<400x128xi32>,
    %mul3A = arith.constant 400 : i32
    %mul3A_41 = arith.muli %arg0, %mul3A : i32
    %mul3A_42 = arith.constant 128 : i32
    %mul3A_43 = arith.muli %mul3A_41, %mul3A_42 : i32
    %iota3A = tpu.iota {dimensions = array<i32: 0>} : vector<400x128xi32>
    %mul3A_44 = arith.constant 128 : i32
    %mul3A_45 = vector.broadcast %mul3A_44 : i32 to vector<400x128xi32>
    %mul3A_46 = arith.muli %iota3A, %mul3A_45 : vector<400x128xi32>
    %add3A_47 = vector.broadcast %mul3A_43 : i32 to vector<400x128xi32>
    %add3A_48 = arith.addi %add3A_47, %mul3A_46 : vector<400x128xi32>
    %iota3A_49 = tpu.iota {dimensions = array<i32: 1>} : vector<400x128xi32>
    %add3A_50 = arith.addi %add3A_48, %iota3A_49 : vector<400x128xi32>
    %convert_element_type3A = arith.sitofp %add3A_50 : vector<400x128xi32> to vector<400x128xf32>
    %add3A_51 = arith.constant 5.000000e-01 : f32
    %add3A_52 = vector.broadcast %add3A_51 : f32 to vector<400x128xf32>
    %add3A_53 = arith.addf %convert_element_type3A, %add3A_52 : vector<400x128xf32>
    %mul3A_54 = arith.constant 2.000000e-02 : f32
    %mul3A_55 = vector.broadcast %mul3A_54 : f32 to vector<400x128xf32>
    %mul3A_56 = arith.mulf %add3A_53, %mul3A_55 : vector<400x128xf32>
    %floor3A = math.floor %mul3A_56 : vector<400x128xf32>
    %convert_element_type3A_57 = arith.fptosi %floor3A : vector<400x128xf32> to vector<400x128xi32>
    %mul3A_58 = arith.constant 50 : i32
    %mul3A_59 = vector.broadcast %mul3A_58 : i32 to vector<400x128xi32>
    %mul3A_60 = arith.muli %mul3A_59, %convert_element_type3A_57 : vector<400x128xi32>
    %sub3A_61 = arith.subi %add3A_50, %mul3A_60 : vector<400x128xi32>
    %shift_right_arithmetic3A_62 = arith.constant 3 : i32
    %shift_right_arithmetic3A_63 = vector.broadcast %shift_right_arithmetic3A_62 : i32 to vector<400x128xi32>
    %shift_right_arithmetic3A_64 = arith.shrsi %convert_element_type3A_57, %shift_right_arithmetic3A_63 : vector<400x128xi32>
    %mul3A_65 = arith.constant 7 : i32
    %mul3A_66 = vector.broadcast %mul3A_65 : i32 to vector<400x128xi32>
    %mul3A_67 = arith.muli %shift_right_arithmetic3A_64, %mul3A_66 : vector<400x128xi32>
    %shift_right_arithmetic3A_68 = arith.constant 3 : i32
    %shift_right_arithmetic3A_69 = vector.broadcast %shift_right_arithmetic3A_68 : i32 to vector<400x128xi32>
    %shift_right_arithmetic3A_70 = arith.shrsi %sub3A_61, %shift_right_arithmetic3A_69 : vector<400x128xi32>
    %add3A_71 = arith.addi %mul3A_67, %shift_right_arithmetic3A_70 : vector<400x128xi32>
    %shift_left3A_72 = arith.constant 6 : i32
    %shift_left3A_73 = vector.broadcast %shift_left3A_72 : i32 to vector<400x128xi32>
    %shift_left3A_74 = arith.shli %add3A_71, %shift_left3A_73 : vector<400x128xi32>
    %and3A_75 = arith.constant 7 : i32
    %and3A_76 = vector.broadcast %and3A_75 : i32 to vector<400x128xi32>
    %and3A_77 = arith.andi %convert_element_type3A_57, %and3A_76 : vector<400x128xi32>
    %shift_left3A_78 = arith.constant 3 : i32
    %shift_left3A_79 = vector.broadcast %shift_left3A_78 : i32 to vector<400x128xi32>
    %shift_left3A_80 = arith.shli %and3A_77, %shift_left3A_79 : vector<400x128xi32>
    %add3A_81 = arith.addi %shift_left3A_74, %shift_left3A_80 : vector<400x128xi32>
    %and3A_82 = arith.constant 7 : i32
    %and3A_83 = vector.broadcast %and3A_82 : i32 to vector<400x128xi32>
    %and3A_84 = arith.andi %sub3A_61, %and3A_83 : vector<400x128xi32>
    %add3A_85 = arith.addi %add3A_81, %and3A_84 : vector<400x128xi32>
    %swap3A_86 = arith.constant 0 : index
    %swap3A_87 = arith.constant 0 : index
    %swap3A_88 = vector.load %arg5[%swap3A_86, %swap3A_87] : memref<400x128xi32, #tpu.memory_space<vmem>>, vector<400x128xi32>
    tpu.vector_store %arg5[%swap3A_86, %swap3A_87], %add3A_85 {strides = array<i32>} : memref<400x128xi32, #tpu.memory_space<vmem>>, vector<400x128xi32>,
    return
  }
  func.func @transform_0(%arg0: i32) -> (i32, i32) {
    %c0_i32 = arith.constant 0 : i32
    %c0_i32_0 = arith.constant 0 : i32
    return %c0_i32, %arg0 : i32, i32
  }
  func.func @transform_1(%arg0: i32) -> (i32, i32) {
    %c0_i32 = arith.constant 0 : i32
    %c0_i32_0 = arith.constant 0 : i32
    return %arg0, %c0_i32 : i32, i32
  }
  func.func @transform_2(%arg0: i32) -> (i32, i32) {
    %c0_i32 = arith.constant 0 : i32
    %c0_i32_0 = arith.constant 0 : i32
    return %arg0, %c0_i32 : i32, i32
  }
  func.func @transform_3(%arg0: i32) -> (i32, i32) {
    %c0_i32 = arith.constant 0 : i32
    %c0_i32_0 = arith.constant 0 : i32
    return %arg0, %c0_i32 : i32, i32
  }
  func.func @transform_4(%arg0: i32) -> (i32, i32) {
    %c0_i32 = arith.constant 0 : i32
    %c0_i32_0 = arith.constant 0 : i32
    return %arg0, %c0_i32 : i32, i32
  }
}

module attributes {stable_mosaic.version = 14 : i64} {
  func.func @_dense_body(%arg0: i32, %arg1: memref<28672x128xf32, #tpu.memory_space<vmem>>, %arg2: memref<7x128x128xf32, #tpu.memory_space<vmem>>, %arg3: memref<1x128xf32, #tpu.memory_space<vmem>>, %arg4: memref<4096x5xf32, #tpu.memory_space<vmem>>) attributes {dimension_semantics = [#tpu.dimension_semantics<arbitrary>], iteration_bounds = array<i64: 4>, scalar_prefetch = 0 : i64, scratch_operands = 0 : i64, tpu.core_type = #tpu.core_type<tc>, window_params = [{transform_indices = @transform_0, window_bounds = array<i64: 28672, 128>}, {pipeline_mode = #tpu.pipeline_mode<synchronous>, transform_indices = @transform_1, window_bounds = array<i64: 7, 128, 128>}, {pipeline_mode = #tpu.pipeline_mode<synchronous>, transform_indices = @transform_2, window_bounds = array<i64: 1, 128>}, {transform_indices = @transform_3, window_bounds = array<i64: 4096, 5>}]} {
    %get3A = arith.constant 0 : index
    %get3A_0 = arith.constant 0 : index
    %get3A_1 = vector.load %arg1[%get3A, %get3A_0] : memref<28672x128xf32, #tpu.memory_space<vmem>>, vector<28672x128xf32>
    %reshape3A = vector.shape_cast %get3A_1 : vector<28672x128xf32> to vector<512x7x8x128xf32>
    %iota3A = tpu.iota {dimensions = array<i32: 1>} : vector<4096x128xi32>
    %get3A_2 = arith.constant 0 : index
    %get3A_3 = arith.constant 0 : index
    %get3A_4 = vector.load %arg3[%get3A_2, %get3A_3] : memref<1x128xf32, #tpu.memory_space<vmem>>, vector<1x128xf32>
    %broadcast_in_dim3A = vector.shape_cast %get3A_4 : vector<1x128xf32> to vector<1x128xf32>
    %broadcast_in_dim3A_5 = vector.broadcast %broadcast_in_dim3A : vector<1x128xf32> to vector<4096x128xf32>
    %slice3A = vector.extract_strided_slice %reshape3A {offsets = [0, 0, 0, 0], sizes = [512, 1, 8, 128], strides = [1, 1, 1, 1]} : vector<512x7x8x128xf32> to vector<512x1x8x128xf32>
    %squeeze3A = vector.shape_cast %slice3A : vector<512x1x8x128xf32> to vector<512x8x128xf32>
    %reshape3A_6 = vector.shape_cast %squeeze3A : vector<512x8x128xf32> to vector<4096x128xf32>
    %get3A_7 = arith.constant 0 : index
    %get3A_8 = arith.constant 0 : index
    %get3A_9 = arith.constant 0 : index
    %get3A_10 = vector.load %arg2[%get3A_7, %get3A_8, %get3A_9] : memref<7x128x128xf32, #tpu.memory_space<vmem>>, vector<1x128x128xf32>
    %get3A_11 = vector.shape_cast %get3A_10 : vector<1x128x128xf32> to vector<128x128xf32>
    %dot_general3A = arith.constant dense<0.000000e+00> : vector<4096x128xf32>
    %dot_general3A_12 = tpu.matmul %reshape3A_6, %get3A_11, %dot_general3A {dimension_numbers = #tpu.dot_dimension_numbers<[1], [0], [0], [1], [0, 0, 1, 1], [], []>, transpose_lhs_hint = false} : vector<4096x128xf32>, vector<128x128xf32>, vector<4096x128xf32> -> vector<4096x128xf32>
    %add3A = arith.addf %broadcast_in_dim3A_5, %dot_general3A_12 : vector<4096x128xf32>
    %slice3A_13 = vector.extract_strided_slice %reshape3A {offsets = [0, 1, 0, 0], sizes = [512, 1, 8, 128], strides = [1, 1, 1, 1]} : vector<512x7x8x128xf32> to vector<512x1x8x128xf32>
    %squeeze3A_14 = vector.shape_cast %slice3A_13 : vector<512x1x8x128xf32> to vector<512x8x128xf32>
    %reshape3A_15 = vector.shape_cast %squeeze3A_14 : vector<512x8x128xf32> to vector<4096x128xf32>
    %get3A_16 = arith.constant 1 : index
    %get3A_17 = arith.constant 0 : index
    %get3A_18 = arith.constant 0 : index
    %get3A_19 = vector.load %arg2[%get3A_16, %get3A_17, %get3A_18] : memref<7x128x128xf32, #tpu.memory_space<vmem>>, vector<1x128x128xf32>
    %get3A_20 = vector.shape_cast %get3A_19 : vector<1x128x128xf32> to vector<128x128xf32>
    %dot_general3A_21 = arith.constant dense<0.000000e+00> : vector<4096x128xf32>
    %dot_general3A_22 = tpu.matmul %reshape3A_15, %get3A_20, %dot_general3A_21 {dimension_numbers = #tpu.dot_dimension_numbers<[1], [0], [0], [1], [0, 0, 1, 1], [], []>, transpose_lhs_hint = false} : vector<4096x128xf32>, vector<128x128xf32>, vector<4096x128xf32> -> vector<4096x128xf32>
    %add3A_23 = arith.addf %add3A, %dot_general3A_22 : vector<4096x128xf32>
    %slice3A_24 = vector.extract_strided_slice %reshape3A {offsets = [0, 2, 0, 0], sizes = [512, 1, 8, 128], strides = [1, 1, 1, 1]} : vector<512x7x8x128xf32> to vector<512x1x8x128xf32>
    %squeeze3A_25 = vector.shape_cast %slice3A_24 : vector<512x1x8x128xf32> to vector<512x8x128xf32>
    %reshape3A_26 = vector.shape_cast %squeeze3A_25 : vector<512x8x128xf32> to vector<4096x128xf32>
    %get3A_27 = arith.constant 2 : index
    %get3A_28 = arith.constant 0 : index
    %get3A_29 = arith.constant 0 : index
    %get3A_30 = vector.load %arg2[%get3A_27, %get3A_28, %get3A_29] : memref<7x128x128xf32, #tpu.memory_space<vmem>>, vector<1x128x128xf32>
    %get3A_31 = vector.shape_cast %get3A_30 : vector<1x128x128xf32> to vector<128x128xf32>
    %dot_general3A_32 = arith.constant dense<0.000000e+00> : vector<4096x128xf32>
    %dot_general3A_33 = tpu.matmul %reshape3A_26, %get3A_31, %dot_general3A_32 {dimension_numbers = #tpu.dot_dimension_numbers<[1], [0], [0], [1], [0, 0, 1, 1], [], []>, transpose_lhs_hint = false} : vector<4096x128xf32>, vector<128x128xf32>, vector<4096x128xf32> -> vector<4096x128xf32>
    %add3A_34 = arith.addf %add3A_23, %dot_general3A_33 : vector<4096x128xf32>
    %slice3A_35 = vector.extract_strided_slice %reshape3A {offsets = [0, 3, 0, 0], sizes = [512, 1, 8, 128], strides = [1, 1, 1, 1]} : vector<512x7x8x128xf32> to vector<512x1x8x128xf32>
    %squeeze3A_36 = vector.shape_cast %slice3A_35 : vector<512x1x8x128xf32> to vector<512x8x128xf32>
    %reshape3A_37 = vector.shape_cast %squeeze3A_36 : vector<512x8x128xf32> to vector<4096x128xf32>
    %get3A_38 = arith.constant 3 : index
    %get3A_39 = arith.constant 0 : index
    %get3A_40 = arith.constant 0 : index
    %get3A_41 = vector.load %arg2[%get3A_38, %get3A_39, %get3A_40] : memref<7x128x128xf32, #tpu.memory_space<vmem>>, vector<1x128x128xf32>
    %get3A_42 = vector.shape_cast %get3A_41 : vector<1x128x128xf32> to vector<128x128xf32>
    %dot_general3A_43 = arith.constant dense<0.000000e+00> : vector<4096x128xf32>
    %dot_general3A_44 = tpu.matmul %reshape3A_37, %get3A_42, %dot_general3A_43 {dimension_numbers = #tpu.dot_dimension_numbers<[1], [0], [0], [1], [0, 0, 1, 1], [], []>, transpose_lhs_hint = false} : vector<4096x128xf32>, vector<128x128xf32>, vector<4096x128xf32> -> vector<4096x128xf32>
    %add3A_45 = arith.addf %add3A_34, %dot_general3A_44 : vector<4096x128xf32>
    %slice3A_46 = vector.extract_strided_slice %reshape3A {offsets = [0, 4, 0, 0], sizes = [512, 1, 8, 128], strides = [1, 1, 1, 1]} : vector<512x7x8x128xf32> to vector<512x1x8x128xf32>
    %squeeze3A_47 = vector.shape_cast %slice3A_46 : vector<512x1x8x128xf32> to vector<512x8x128xf32>
    %reshape3A_48 = vector.shape_cast %squeeze3A_47 : vector<512x8x128xf32> to vector<4096x128xf32>
    %get3A_49 = arith.constant 4 : index
    %get3A_50 = arith.constant 0 : index
    %get3A_51 = arith.constant 0 : index
    %get3A_52 = vector.load %arg2[%get3A_49, %get3A_50, %get3A_51] : memref<7x128x128xf32, #tpu.memory_space<vmem>>, vector<1x128x128xf32>
    %get3A_53 = vector.shape_cast %get3A_52 : vector<1x128x128xf32> to vector<128x128xf32>
    %dot_general3A_54 = arith.constant dense<0.000000e+00> : vector<4096x128xf32>
    %dot_general3A_55 = tpu.matmul %reshape3A_48, %get3A_53, %dot_general3A_54 {dimension_numbers = #tpu.dot_dimension_numbers<[1], [0], [0], [1], [0, 0, 1, 1], [], []>, transpose_lhs_hint = false} : vector<4096x128xf32>, vector<128x128xf32>, vector<4096x128xf32> -> vector<4096x128xf32>
    %add3A_56 = arith.addf %add3A_45, %dot_general3A_55 : vector<4096x128xf32>
    %slice3A_57 = vector.extract_strided_slice %reshape3A {offsets = [0, 5, 0, 0], sizes = [512, 1, 8, 128], strides = [1, 1, 1, 1]} : vector<512x7x8x128xf32> to vector<512x1x8x128xf32>
    %squeeze3A_58 = vector.shape_cast %slice3A_57 : vector<512x1x8x128xf32> to vector<512x8x128xf32>
    %reshape3A_59 = vector.shape_cast %squeeze3A_58 : vector<512x8x128xf32> to vector<4096x128xf32>
    %get3A_60 = arith.constant 5 : index
    %get3A_61 = arith.constant 0 : index
    %get3A_62 = arith.constant 0 : index
    %get3A_63 = vector.load %arg2[%get3A_60, %get3A_61, %get3A_62] : memref<7x128x128xf32, #tpu.memory_space<vmem>>, vector<1x128x128xf32>
    %get3A_64 = vector.shape_cast %get3A_63 : vector<1x128x128xf32> to vector<128x128xf32>
    %dot_general3A_65 = arith.constant dense<0.000000e+00> : vector<4096x128xf32>
    %dot_general3A_66 = tpu.matmul %reshape3A_59, %get3A_64, %dot_general3A_65 {dimension_numbers = #tpu.dot_dimension_numbers<[1], [0], [0], [1], [0, 0, 1, 1], [], []>, transpose_lhs_hint = false} : vector<4096x128xf32>, vector<128x128xf32>, vector<4096x128xf32> -> vector<4096x128xf32>
    %add3A_67 = arith.addf %add3A_56, %dot_general3A_66 : vector<4096x128xf32>
    %slice3A_68 = vector.extract_strided_slice %reshape3A {offsets = [0, 6, 0, 0], sizes = [512, 1, 8, 128], strides = [1, 1, 1, 1]} : vector<512x7x8x128xf32> to vector<512x1x8x128xf32>
    %squeeze3A_69 = vector.shape_cast %slice3A_68 : vector<512x1x8x128xf32> to vector<512x8x128xf32>
    %reshape3A_70 = vector.shape_cast %squeeze3A_69 : vector<512x8x128xf32> to vector<4096x128xf32>
    %lt3A = arith.constant 32 : i32
    %lt3A_71 = vector.broadcast %lt3A : i32 to vector<4096x128xi32>
    %lt3A_72 = arith.cmpi slt, %iota3A, %lt3A_71 : vector<4096x128xi32>
    %jit3A = arith.constant 0.000000e+00 : f32
    %broadcast_in_dim3A_73 = vector.broadcast %jit3A : f32 to vector<4096x128xf32>
    %select_n3A = arith.select %lt3A_72, %reshape3A_70, %broadcast_in_dim3A_73 : vector<4096x128xi1>, vector<4096x128xf32>
    %get3A_74 = arith.constant 6 : index
    %get3A_75 = arith.constant 0 : index
    %get3A_76 = arith.constant 0 : index
    %get3A_77 = vector.load %arg2[%get3A_74, %get3A_75, %get3A_76] : memref<7x128x128xf32, #tpu.memory_space<vmem>>, vector<1x128x128xf32>
    %get3A_78 = vector.shape_cast %get3A_77 : vector<1x128x128xf32> to vector<128x128xf32>
    %dot_general3A_79 = arith.constant dense<0.000000e+00> : vector<4096x128xf32>
    %dot_general3A_80 = tpu.matmul %select_n3A, %get3A_78, %dot_general3A_79 {dimension_numbers = #tpu.dot_dimension_numbers<[1], [0], [0], [1], [0, 0, 1, 1], [], []>, transpose_lhs_hint = false} : vector<4096x128xf32>, vector<128x128xf32>, vector<4096x128xf32> -> vector<4096x128xf32>
    %add3A_81 = arith.addf %add3A_67, %dot_general3A_80 : vector<4096x128xf32>
    %reduce_max3A = arith.constant dense<0xFF800000> : vector<4096xf32>
    %reduce_max3A_82 = vector.multi_reduction <maximumf>, %add3A_81, %reduce_max3A [1] : vector<4096x128xf32> to vector<4096xf32>
    %broadcast_in_dim3A_83 = vector.shape_cast %reduce_max3A_82 : vector<4096xf32> to vector<4096x1xf32>
    %sub3A = vector.broadcast %broadcast_in_dim3A_83 : vector<4096x1xf32> to vector<4096x128xf32>
    %sub3A_84 = arith.subf %add3A_81, %sub3A : vector<4096x128xf32>
    %exp3A = math.exp %sub3A_84 : vector<4096x128xf32>
    %reduce_sum3A = arith.constant dense<0.000000e+00> : vector<4096xf32>
    %reduce_sum3A_85 = vector.multi_reduction <add>, %exp3A, %reduce_sum3A [1] : vector<4096x128xf32> to vector<4096xf32>
    %broadcast_in_dim3A_86 = vector.shape_cast %reduce_sum3A_85 : vector<4096xf32> to vector<4096x1xf32>
    %div3A = vector.broadcast %broadcast_in_dim3A_86 : vector<4096x1xf32> to vector<4096x128xf32>
    %div3A_87 = arith.divf %exp3A, %div3A : vector<4096x128xf32>
    %slice3A_88 = vector.extract_strided_slice %div3A_87 {offsets = [0, 0], sizes = [4096, 5], strides = [1, 1]} : vector<4096x128xf32> to vector<4096x5xf32>
    %swap3A = arith.constant 0 : index
    %swap3A_89 = arith.constant 0 : index
    %swap3A_90 = vector.load %arg4[%swap3A, %swap3A_89] : memref<4096x5xf32, #tpu.memory_space<vmem>>, vector<4096x5xf32>
    tpu.vector_store %arg4[%swap3A, %swap3A_89], %slice3A_88 {strides = array<i32>} : memref<4096x5xf32, #tpu.memory_space<vmem>>, vector<4096x5xf32>,
    return
  }
  func.func @transform_0(%arg0: i32) -> (i32, i32) {
    %c0_i32 = arith.constant 0 : i32
    %c0_i32_0 = arith.constant 0 : i32
    return %arg0, %c0_i32 : i32, i32
  }
  func.func @transform_1(%arg0: i32) -> (i32, i32, i32) {
    %c0_i32 = arith.constant 0 : i32
    %c0_i32_0 = arith.constant 0 : i32
    %c0_i32_1 = arith.constant 0 : i32
    %c0_i32_2 = arith.constant 0 : i32
    return %c0_i32, %c0_i32_0, %c0_i32_1 : i32, i32, i32
  }
  func.func @transform_2(%arg0: i32) -> (i32, i32) {
    %c0_i32 = arith.constant 0 : i32
    %c0_i32_0 = arith.constant 0 : i32
    %c0_i32_1 = arith.constant 0 : i32
    return %c0_i32, %c0_i32_0 : i32, i32
  }
  func.func @transform_3(%arg0: i32) -> (i32, i32) {
    %c0_i32 = arith.constant 0 : i32
    %c0_i32_0 = arith.constant 0 : i32
    return %arg0, %c0_i32 : i32, i32
  }
}

</mosaic_0001>

<sc_bundles>
// kernel: kernel.5.cloned.1.call-start
scs
__scs_entry_jumppad:
0x0: {  	(pc) =	sbr.rel $0x88, $3  }
0x1: {  	(tag) =	ssettag $0x0;
	lr =	simm.s32 $0x1  }
0x2: {  	[smem:$0x3F9D] =	sst lr;
	_ =	strace $0xD0000000  }
0x3: {  	_ = 	snop  }
0x4: {  	_ = 	snop  }
0x5: {  	_ = 	snop  }
0x6: {  	_ = 	snop  }
0x7: {  	_ = 	snop  }
__scs_overlays_trampoline_lowered:
0x8: {  	[smem:$0x3FAC] =	sst s0  }
0x9: {  	[smem:$0x3FAD] =	sst s1  }
0xa: {  	[smem:$0x3FAE] =	sst s2  }
0xb: {  	[smem:$0x3FAF] =	sst s3  }
0xc: {  	[smem:$0x3FB0] =	sst s4  }
0xd: {  	[smem:$0x3FB1] =	sst s5  }
0xe: {  	[smem:$0x3FB2] =	sst s6  }
0xf: {  	[smem:$0x3FB3] =	sst s7  }
0x10: {  	[smem:$0x3FB4] =	sst s8  }
0x11: {  	[smem:$0x3FB5] =	sst s9;
	s0 =	simm.s32 @!p0 $0x0  }
0x12: {  	s1 =	sld [smem:$0x3F9B];
	s0 =	simm.s32 @p0 $0x1  }
0x13: {  	[smem:$0x3FB6] =	sst s0;
	s0 =	simm.s32 @!p1 $0x0  }
0x14: {  	s2 =	sld [smem:$0x3F9A];
	s0 =	simm.s32 @p1 $0x1  }
0x15: {  	[smem:$0x3FB7] =	sst s0;
	s0 =	simm.s32 @!p2 $0x0  }
0x16: {  	s3 =	sld [smem:$0x3FDB];
	s0 =	simm.s32 @p2 $0x1  }
0x17: {  	s4 =	simm.s32 $0x1BF5;
	[smem:$0x3FB9] =	sst s0  }
0x18: {  	s0 =	sld [smem:$0x3F9C];
	_ =	swait.ge [sflag:s4], $0x0  }
0x19: {  	s7 =	sld [smem:$0x3F9D]  }
0x1a: {  	s8 =	sadd.s32 $0xFFFFE003, lr  }
0x1b: {  	s9 =	sadd.s32 $0xFFFFFEF7, lr;
	s5 =	simm.s32 $0xFFFFFFFF;
	p2 =	slt.u32 s8, $0xFFFFF086  }
0x1c: {  	p1 =	slt.u32 s9, $0xF7A;
	s5 =	simm.s32 @!p2 $0x0  }
0x1d: {  	s5 =	simm.s32 @p1 $0x1;
	p0 =	seq.s32 s7, s2  }
0x1e: {  	s7 =	smul.u32 @!p0 $0xF7A, s2;
	p2 =	seq.s32 @!p0 s5, $0x0  }
0x1f: {  	s9 =	smul.u32 $0xF7A, s1;
	s8 =	simm.s32 @!p0 $0x1BF5;
	p2 =	por !p2, p0  }
0x20: {  	[sflag:s8] =	ssyncset.s32 @!p0 $0xFFFFF086;
	s6 =	sadd.s32 @!p0 s3, s7;
	s7 =	simm.s32 @!p0 $0x108  }
0x21: {  	s3 =	sadd.s32 s3, s9;
	s6 =	sadd.s32 @!p0 $0x88, s6;
	s7 =	simm.s32 @p2 $0x1082  }
0x22: {  	[simem:s7], [sflag:s8] =	dma.local @!p0 [hbm:s6], $0xF7A  }
0x23: {  	s9 =	sor.u32 $0xD0000000, s2;
	s6 =	simm.s32 $0x108;
	_ =	swait.ge @!p0 [sflag:s8], $0x0  }
0x24: {  	s3 =	sadd.s32 $0x88, s3;
	s6 =	simm.s32 @!p1 $0x1082;
	[sflag:s4] =	ssyncset.s32 $0xFFFFF086  }
0x25: {  	[simem:s6], [sflag:s4] =	dma.local [hbm:s3], $0xF7A  }
0x26: {  	[smem:$0x3F9D] =	sst s1;
	(tag) =	ssettag s2;
	_ =	strace s9  }
0x27: {  	s1 =	sld [smem:$0x3FAD]  }
0x28: {  	s2 =	sld [smem:$0x3FAE]  }
0x29: {  	s4 =	sld [smem:$0x3FB0]  }
0x2a: {  	p0 =	seq.s32 s5, $0x0;
	s5 =	sld [smem:$0x3FB1]  }
0x2b: {  	s6 =	sld [smem:$0x3FB2]  }
0x2c: {  	s7 =	sld [smem:$0x3FB3]  }
0x2d: {  	s3 =	simm.s32 $0x108;
	s8 =	sld [smem:$0x3FB4]  }
0x2e: {  	s3 =	simm.s32 @!p0 $0x1082;
	s9 =	sld [smem:$0x3FB5]  }
0x2f: {  	lr =	sadd.s32 s0, s3;
	s0 =	sld [smem:$0x3FAC]  }
0x30: {  	s3 =	sld [smem:$0x3FAF]  }
0x31: {  	[smem:$0x3FB8] =	sst s10  }
0x32: {  	s10 =	sld [smem:$0x3FB6];
	_ =	sdelay $0x3  }
0x33: {  	p0 =	seq.s32 s10, $0x1;
	s10 =	sld [smem:$0x3FB8];
	_ =	sdelay $0x3  }
0x34: {  	[smem:$0x3FB8] =	sst s10  }
0x35: {  	s10 =	sld [smem:$0x3FB7];
	_ =	sdelay $0x3  }
0x36: {  	p1 =	seq.s32 s10, $0x1;
	s10 =	sld [smem:$0x3FB8];
	_ =	sdelay $0x3  }
0x37: {  	[smem:$0x3FB8] =	sst s10  }
0x38: {  	s10 =	sld [smem:$0x3FB9]  }
0x39: {  	_ = 	snop;
	(pc) =	sbr.ind lr, $3  }
0x3a: {  	_ = 	snop  }
0x3b: {  	_ = 	snop  }
0x3c: {  	p2 =	seq.s32 s10, $0x1;
	s10 =	sld [smem:$0x3FB8]  }
0x3d: {  	_ =	shalt  }
0x3e: {  	_ =	shalt  }
0x3f: {  	_ =	shalt  }
0x40: {  	_ =	shalt  }
0x41: {  	_ =	shalt  }
0x42: {  	_ =	shalt  }
0x43: {  	_ =	shalt  }
0x44: {  	_ =	shalt  }
0x45: {  	_ =	shalt  }
0x46: {  	_ =	shalt  }
0x47: {  	_ =	shalt  }
0x48: {  	_ =	shalt  }
0x49: {  	_ =	shalt  }
0x4a: {  	_ =	shalt  }
0x4b: {  	_ =	shalt  }
0x4c: {  	_ =	shalt  }
0x4d: {  	_ =	shalt  }
0x4e: {  	_ =	shalt  }
0x4f: {  	_ =	shalt  }
0x50: {  	_ =	shalt  }
0x51: {  	_ =	shalt  }
0x52: {  	_ =	shalt  }
0x53: {  	_ =	shalt  }
0x54: {  	_ =	shalt  }
0x55: {  	_ =	shalt  }
0x56: {  	_ =	shalt  }
0x57: {  	_ =	shalt  }
0x58: {  	_ =	shalt  }
0x59: {  	_ =	shalt  }
0x5a: {  	_ =	shalt  }
0x5b: {  	_ =	shalt  }
0x5c: {  	_ =	shalt  }
0x5d: {  	_ =	shalt  }
0x5e: {  	_ =	shalt  }
0x5f: {  	_ =	shalt  }
0x60: {  	_ =	shalt  }
0x61: {  	_ =	shalt  }
0x62: {  	_ =	shalt  }
0x63: {  	_ =	shalt  }
0x64: {  	_ =	shalt  }
0x65: {  	_ =	shalt  }
0x66: {  	_ =	shalt  }
0x67: {  	_ =	shalt  }
0x68: {  	_ =	shalt  }
0x69: {  	_ =	shalt  }
0x6a: {  	_ =	shalt  }
0x6b: {  	_ =	shalt  }
0x6c: {  	_ =	shalt  }
0x6d: {  	_ =	shalt  }
0x6e: {  	_ =	shalt  }
0x6f: {  	_ =	shalt  }
0x70: {  	_ =	shalt  }
0x71: {  	_ =	shalt  }
0x72: {  	_ =	shalt  }
0x73: {  	_ =	shalt  }
0x74: {  	_ =	shalt  }
0x75: {  	_ =	shalt  }
0x76: {  	_ =	shalt  }
0x77: {  	_ =	shalt  }
0x78: {  	_ =	shalt  }
0x79: {  	_ =	shalt  }
0x7a: {  	_ =	shalt  }
0x7b: {  	_ =	shalt  }
0x7c: {  	_ =	shalt  }
0x7d: {  	_ =	shalt  }
0x7e: {  	_ =	shalt  }
0x7f: {  	_ =	shalt  }
0x80: {  	_ =	shalt  }
0x81: {  	_ =	shalt  }
0x82: {  	_ =	shalt  }
0x83: {  	_ =	shalt  }
0x84: {  	_ =	shalt  }
0x85: {  	_ =	shalt  }
0x86: {  	_ =	shalt  }
0x87: {  	_ =	shalt  }
.Lfunc_end0:
.L_simem_size_0:
called_computation_lowered:
.L_overlay_start_0:
0x88: {  	s2 =	sld [smem:$0x3FD9]  }
0x89: {  	s3 =	sld [smem:$0x3FFE];
	_ =	sdelay $0x1  }
0x8a: {  	s1 =	srdreg.scid  }
0x8b: {  	s0 =	sand.u32 $0x1, s1  }
0x8c: {  	s16 =	sshll.u32 s0, $0xA;
	s2 =	sadd.s32 s3, s2  }
0x8d: {  	s2 =	sadd.s32 s2, s16  }
0x8e: {  	[smem:$0x3FC4] =	sst s2  }
0x8f: {  	_ = 	snop  }
0x90: {  	(tm) =	ssettm $0x1  }
0x91: {  	s17 =	sld [smem:$0x3FFB];
	_ =	sdelay $0x3  }
0x92: {  	_ =	strace s17  }
0x93: {  	s2 =	sld [smem:$0x3FFC];
	_ =	sdelay $0x3  }
0x94: {  	_ =	strace s2  }
0x95: {  	s2 =	sld [smem:$0x3FFD];
	_ =	sdelay $0x3  }
0x96: {  	_ =	strace s2  }
0x97: {  	_ =	strace $0x8FFFFFFF  }
0x98: {  	s18 =	sld [smem:$0x3FDB];
	_ =	sdelay $0x1  }
0x99: {  	s19 =	simm.s32 $_scs_section_size  }
0x9a: {  	s4 =	simm.s32 $_size__tile_overlayer_lowered;
	s5 =	simm.s32 $_tile_overlayer_lowered  }
0x9b: {  	s22 =	simm.s32 $0x1BFF;
	s21 =	sshll.u32 s5, $0x1;
	s2 =	sadd.s32 s19, s18  }
0x9c: {  	s6 =	simm.s32 $0x0;
	s20 =	sshll.u32 s4, $0x1;
	s4 =	sadd.s32 s21, s2  }
0x9d: {  	[timem:s6], [sflag:s22] =	dma.local [hbm:s4], s20  }
0x9e: {  	_ =	swait.ge [sflag:s22], s20  }
0x9f: {  	s3 =	ssub.s32 $0x0, s20;
	[sflag:s22] =	ssyncset.done $0x0  }
0xa0: {  	[sflag:s22] =	ssyncadd.s32 s3;
	_ =	sdelay $0x1  }
0xa1: {  	s23 =	simm.s32 $0x1B8B  }
0xa2: {  	_ =	swait.ge [sflag:s23], $0x1  }
0xa3: {  	[sflag:s23] =	ssyncset.done $0x0  }
0xa4: {  	s25 =	simm.s32 $0x1B8E;
	s24 =	sld [smem:$0x3FFE];
	[sflag:s23] =	ssyncadd.s32 $0xFFFFFFFF  }
0xa5: {  	s26 =	simm.s32 $execute0_lowered;
	[smem:$0x3FD2] =	sst s25  }
0xa6: {  	s4 =	sshll.u32 s26, $0x1;
	_ =	strace $0x80000046;
	[dreg:$0x1] =	wrdreg $0xFFFFFFFF  }
0xa7: {  	s28 =	simm.s32 $_size_execute0_lowered;
	s2 =	sadd.s32 s2, s4;
	[dreg:$0x0] =	wrdreg $0x0  }
0xa8: {  	s4 =	sshll.u32 s28, $0x1;
	[dreg:$0x2] =	wrdreg s2  }
0xa9: {  	[dreg:$0x3] =	wrdreg s4  }
0xaa: {  	[dreg:$0x4] =	wrdreg $0xC0  }
0xab: {  	_ =	task [dreg:s6], $0x5FFFF  }
0xac: {  	[dreg:$0x1] =	wrdreg $0xFFFFFFFF  }
0xad: {  	[dreg:$0x0] =	wrdreg $0x60  }
0xae: {  	[dreg:$0x2] =	wrdreg s24  }
0xaf: {  	[dreg:$0x3] =	wrdreg $0x9  }
0xb0: {  	_ =	task.clear_ibuf [dreg:s6], $0x4FFFF;
	_ =	strace $0x90000046  }
0xb1: {  	s29 =	simm.s32 $0x9;
	_ =	strace $0x80000048  }
0xb2: {  	_ =	swait.ge [sflag:s29], $0x1  }
0xb3: {  	[sflag:s29] =	ssyncadd.s32 $0xFFFFFFFF  }
0xb4: {  	_ =	strace $0x90000048  }
0xb5: {  	_ =	sfence  }
0xb6: {  	s30 =	sld [smem:$0x0];
	_ =	sdelay $0x2  }
0xb7: {  	s31 =	sshll.u32 s1, $0xD;
	s1 =	sshrl.u32 s1, $0x2  }
0xb8: {  	s3 =	sand.u32 $0x4000, s31;
	s1 =	sadd.s32 s1, s30  }
0xb9: {  	s0 =	sor.u32 s3, s0;
	s1 =	sshll.u32 s1, $0x11  }
0xba: {  	s0 =	sor.u32 s1, s0  }
0xbb: {  	s0 =	sadd.s32 $0x8F2B, s0  }
0xbc: {  	[sflag:s0] =	ssyncadd.remote.s32 $0x1  }
0xbd: {  	_ =	sfence.sel $0xFFFF  }
0xbe: {  	[dreg:$0x0] =	wrdreg $0xFFFFFFFF;
	(pc) =	sbr.abs _section_cstart, $3  }
0xbf: {  	[dreg:$0x1] =	wrdreg $0xFFFFFFFF  }
0xc0: {  	_ =	task.clear_ibuf [dreg:s6], $0x2FFFF;
	_ =	strace $0x9FFFFFFF  }
0xc1: {  	(tm) =	ssettm $0x7FFFFFFF  }
tec
execute0_lowered:
.L_overlay_start_1:
0x0: {  	(tag) =	ssettag $0x1  }
0x1: {  	s4 =	rddreg [dreg:$0x0]  }
0x2: {  	s3 =	srdreg.scid;
	s1 =	stileid.u32;
	s2 =	simm.s32 $0x0  }
0x3: {  	s19 =	simm.s32 $0xC80;
	s20 =	simm.s32 $0x640;
	s21 =	simm.s32 $0x1900  }
0x4: {  	s22 =	simm.s32 $0x12C0;
	s23 =	simm.s32 $0x7D00;
	s24 =	simm.s32 $0x1  }
0x5: {  	s25 =	simm.s32 $0x3;
	s26 =	simm.s32 $0x2;
	s28 =	simm.s32 $0x4  }
0x6: {  	s29 =	simm.s32 $0x0;
	s8 =	sand.u32 $0x1, s3;
	s30 =	sshll.u32 s1, $0x1  }
0x7: {  	[smem:$0x7FF] =	sst s2;
	s17 =	sadd.s32 $0x219E00, s4;
	s13 =	smul.u32 $0xC800, s1  }
0x8: {  	s16 =	sadd.s32 $0x232E00, s4;
	s3 =	sor.u32 s8, s30;
	s14 =	smul.u32 $0x6400, s8  }
0x9: {  	_ =	strace $0x80000047;
	s6 =	ssub.s32 $0x2, s8;
	s5 =	smul.u32 $0x6400, s3  }
0xa: {  	s3 =	sadd.s32 $0x19E00, s4;
	s7 =	sshrl.u32 s6, $0x1;
	s4 =	sadd.s32 $0x24BE00, s4  }
0xb: {  	s7 =	ssub.s32 s6, s7;
	s13 =	sadd.s32 s14, s13;
	s12 =	sshrl.u32 s5, $0x3  }
0xc: {  	s7 =	smax.u32 s7, $0x1;
	s14 =	sadd.s32 $0x1900, s13;
	s18 =	sadd.s32 $0x12C0, s13  }
0xd: {  	s5 =	sadd.s32 s17, s12;
	s6 =	sadd.s32 s16, s12;
	s9 =	sadd.s32 $0xC8, s12  }
0xe: {  	s11 =	sadd.s32 $0x190, s12;
	s15 =	sadd.s32 $0xBB8, s12;
	s31 =	sshrl.u32 s14, $0x3  }
0xf: {  	s18 =	sshrl.u32 s18, $0x3;
	s8 =	sadd.s32 s17, s9;
	s9 =	sadd.s32 s16, s9  }
0x10: {  	s10 =	sadd.s32 s17, s11;
	s11 =	sadd.s32 s16, s11;
	s12 =	sadd.s32 s17, s15  }
0x11: {  	s13 =	sadd.s32 s16, s15;
	s14 =	sadd.s32 s31, s16;
	s15 =	sadd.s32 s31, s17  }
0x12: {  	s16 =	sadd.s32 s18, s16;
	s17 =	sadd.s32 s18, s17;
	s18 =	simm.s32 $0x5  }
.LBB2_1:
0x13: {  	[tilespmem:s2], [sflag:$0x5] =	stream.linear.gather [hbm4b:s5+s2], $0x640, $0x38;
	[tilespmem:$0xE100] =	vst v63  }
0x14: {  	_ =	swait.ge [sflag:s18], $0x640  }
0x15: {  	[sflag:s18] =	ssyncset.done $0x0  }
0x16: {  	[sflag:s18] =	ssyncadd.s32 $0xFFFFF9C0  }
0x17: {  	[tilespmem:s19], [sflag:$0x5] =	stream.linear.gather [hbm4b:s6+s2], $0x640, $0x38;
	[tilespmem:$0xE100] =	vst v63  }
0x18: {  	_ =	swait.ge [sflag:s18], $0x640  }
0x19: {  	[sflag:s18] =	ssyncset.done $0x0  }
0x1a: {  	[sflag:s18] =	ssyncadd.s32 $0xFFFFF9C0  }
0x1b: {  	[tilespmem:s21], [sflag:$0x1] =	stream.indirect.gather [hbm4b:s3+s20], $0x10, s2, s20, $0xb8;
	[tilespmem:$0xE100] =	vst v63  }
0x1c: {  	_ = 	snop  }
0x1d: {  	[tilespmem:s20], [sflag:$0x5] =	stream.linear.gather [hbm4b:s8+s2], $0x640, $0x38;
	[tilespmem:$0xE100] =	vst v63  }
0x1e: {  	_ =	swait.ge [sflag:s18], $0x640  }
0x1f: {  	[sflag:s18] =	ssyncset.done $0x0  }
0x20: {  	[sflag:s18] =	ssyncadd.s32 $0xFFFFF9C0  }
0x21: {  	[tilespmem:s22], [sflag:$0x5] =	stream.linear.gather [hbm4b:s9+s2], $0x640, $0x38;
	[tilespmem:$0xE100] =	vst v63  }
0x22: {  	_ =	swait.ge [sflag:s18], $0x640  }
0x23: {  	[sflag:s18] =	ssyncset.done $0x0  }
0x24: {  	[sflag:s18] =	ssyncadd.s32 $0xFFFFF9C0  }
0x25: {  	[tilespmem:s23], [sflag:$0x2] =	stream.indirect.gather [hbm4b:s3+s20], $0x10, s20, s20, $0xb8;
	[tilespmem:$0xE100] =	vst v63  }
0x26: {  	_ =	swait.ge [sflag:s24], $0x6400  }
0x27: {  	[sflag:s24] =	ssyncset.done $0x0  }
0x28: {  	[sflag:s24] =	ssyncadd.s32 $0xFFFF9C00  }
0x29: {  	[hbm4b:s4+s20] =	stream.indirect.scatter [tilespmem:s21], [sflag:$0x3], $0x10, s19, s20, $0xb8;
	[tilespmem:$0xE100] =	vst v63  }
0x2a: {  	_ =	swait.ge [sflag:s25], $0x6400  }
0x2b: {  	[sflag:s25] =	ssyncset.done $0x0  }
0x2c: {  	[sflag:s25] =	ssyncadd.s32 $0xFFFF9C00  }
0x2d: {  	[tilespmem:s2], [sflag:$0x5] =	stream.linear.gather [hbm4b:s10+s2], $0x640, $0x38;
	[tilespmem:$0xE100] =	vst v63  }
0x2e: {  	_ =	swait.ge [sflag:s18], $0x640  }
0x2f: {  	[sflag:s18] =	ssyncset.done $0x0  }
0x30: {  	[sflag:s18] =	ssyncadd.s32 $0xFFFFF9C0  }
0x31: {  	[tilespmem:s19], [sflag:$0x5] =	stream.linear.gather [hbm4b:s11+s2], $0x640, $0x38;
	[tilespmem:$0xE100] =	vst v63  }
0x32: {  	_ =	swait.ge [sflag:s18], $0x640  }
0x33: {  	[sflag:s18] =	ssyncset.done $0x0  }
0x34: {  	[sflag:s18] =	ssyncadd.s32 $0xFFFFF9C0  }
0x35: {  	[tilespmem:s21], [sflag:$0x1] =	stream.indirect.gather [hbm4b:s3+s20], $0x10, s2, s20, $0xb8;
	[tilespmem:$0xE100] =	vst v63  }
0x36: {  	_ =	swait.ge [sflag:s26], $0x6400  }
0x37: {  	[sflag:s26] =	ssyncset.done $0x0  }
0x38: {  	[sflag:s26] =	ssyncadd.s32 $0xFFFF9C00  }
0x39: {  	[hbm4b:s4+s20] =	stream.indirect.scatter [tilespmem:s23], [sflag:$0x4], $0x10, s22, s20, $0xb8;
	[tilespmem:$0xE100] =	vst v63  }
0x3a: {  	_ =	swait.ge [sflag:s28], $0x6400  }
0x3b: {  	[sflag:s28] =	ssyncset.done $0x0  }
0x3c: {  	s30 =	sadd.s32 $0x0, s17;
	[sflag:s28] =	ssyncadd.s32 $0xFFFF9C00  }
0x3d: {  	[tilespmem:s20], [sflag:$0x5] =	stream.linear.gather [hbm4b:s30+s2], $0x640, $0x38;
	[tilespmem:$0xE100] =	vst v63  }
0x3e: {  	_ =	swait.ge [sflag:s18], $0x640  }
0x3f: {  	[sflag:s18] =	ssyncset.done $0x0  }
0x40: {  	s30 =	sadd.s32 $0x0, s16;
	[sflag:s18] =	ssyncadd.s32 $0xFFFFF9C0  }
0x41: {  	[tilespmem:s22], [sflag:$0x5] =	stream.linear.gather [hbm4b:s30+s2], $0x640, $0x38;
	[tilespmem:$0xE100] =	vst v63  }
0x42: {  	_ =	swait.ge [sflag:s18], $0x640  }
0x43: {  	[sflag:s18] =	ssyncset.done $0x0  }
0x44: {  	[sflag:s18] =	ssyncadd.s32 $0xFFFFF9C0  }
0x45: {  	[tilespmem:s23], [sflag:$0x2] =	stream.indirect.gather [hbm4b:s3+s20], $0x10, s20, s20, $0xb8;
	[tilespmem:$0xE100] =	vst v63  }
0x46: {  	_ =	swait.ge [sflag:s24], $0x6400  }
0x47: {  	[sflag:s24] =	ssyncset.done $0x0  }
0x48: {  	[sflag:s24] =	ssyncadd.s32 $0xFFFF9C00  }
0x49: {  	[hbm4b:s4+s20] =	stream.indirect.scatter [tilespmem:s21], [sflag:$0x3], $0x10, s19, s20, $0xb8;
	[tilespmem:$0xE100] =	vst v63  }
0x4a: {  	_ =	swait.ge [sflag:s25], $0x6400  }
0x4b: {  	[sflag:s25] =	ssyncset.done $0x0  }
0x4c: {  	s30 =	sadd.s32 $0x0, s15;
	[sflag:s25] =	ssyncadd.s32 $0xFFFF9C00  }
0x4d: {  	[tilespmem:s2], [sflag:$0x5] =	stream.linear.gather [hbm4b:s30+s2], $0x640, $0x38;
	[tilespmem:$0xE100] =	vst v63  }
0x4e: {  	_ =	swait.ge [sflag:s18], $0x640  }
0x4f: {  	[sflag:s18] =	ssyncset.done $0x0  }
0x50: {  	s30 =	sadd.s32 $0x0, s14;
	[sflag:s18] =	ssyncadd.s32 $0xFFFFF9C0  }
0x51: {  	[tilespmem:s19], [sflag:$0x5] =	stream.linear.gather [hbm4b:s30+s2], $0x640, $0x38;
	[tilespmem:$0xE100] =	vst v63  }
0x52: {  	_ =	swait.ge [sflag:s18], $0x640  }
0x53: {  	[sflag:s18] =	ssyncset.done $0x0  }
0x54: {  	[sflag:s18] =	ssyncadd.s32 $0xFFFFF9C0  }
0x55: {  	[tilespmem:s21], [sflag:$0x1] =	stream.indirect.gather [hbm4b:s3+s20], $0x10, s2, s20, $0xb8;
	[tilespmem:$0xE100] =	vst v63  }
0x56: {  	_ =	swait.ge [sflag:s26], $0x6400  }
0x57: {  	[sflag:s26] =	ssyncset.done $0x0  }
0x58: {  	s30 =	simm.s32 $0x190;
	[sflag:s26] =	ssyncadd.s32 $0xFFFF9C00  }
.LBB2_2:
0x59: {  	[hbm4b:s4+s20] =	stream.indirect.scatter [tilespmem:s23], [sflag:$0x4], $0x10, s22, s20, $0xb8;
	[tilespmem:$0xE100] =	vst v63  }
0x5a: {  	s31 =	smov.u32 s30  }
0x5b: {  	p0 =	sne.s32 s30, $0x7D0;
	s30 =	sadd.s32 $0x190, s30;
	_ =	swait.ge [sflag:s28], $0x6400  }
0x5c: {  	[sflag:s28] =	ssyncset.done $0x0  }
0x5d: {  	s0 =	sadd.s32 s31, s17;
	[sflag:s28] =	ssyncadd.s32 $0xFFFF9C00  }
0x5e: {  	[tilespmem:s20], [sflag:$0x5] =	stream.linear.gather [hbm4b:s0+s2], $0x640, $0x38;
	[tilespmem:$0xE100] =	vst v63  }
0x5f: {  	_ =	swait.ge [sflag:s18], $0x640  }
0x60: {  	[sflag:s18] =	ssyncset.done $0x0  }
0x61: {  	s0 =	sadd.s32 s31, s16;
	[sflag:s18] =	ssyncadd.s32 $0xFFFFF9C0  }
0x62: {  	[tilespmem:s22], [sflag:$0x5] =	stream.linear.gather [hbm4b:s0+s2], $0x640, $0x38;
	[tilespmem:$0xE100] =	vst v63  }
0x63: {  	_ =	swait.ge [sflag:s18], $0x640  }
0x64: {  	[sflag:s18] =	ssyncset.done $0x0  }
0x65: {  	[sflag:s18] =	ssyncadd.s32 $0xFFFFF9C0  }
0x66: {  	[tilespmem:s23], [sflag:$0x2] =	stream.indirect.gather [hbm4b:s3+s20], $0x10, s20, s20, $0xb8;
	[tilespmem:$0xE100] =	vst v63  }
0x67: {  	_ =	swait.ge [sflag:s24], $0x6400  }
0x68: {  	[sflag:s24] =	ssyncset.done $0x0  }
0x69: {  	[sflag:s24] =	ssyncadd.s32 $0xFFFF9C00  }
0x6a: {  	[hbm4b:s4+s20] =	stream.indirect.scatter [tilespmem:s21], [sflag:$0x3], $0x10, s19, s20, $0xb8;
	[tilespmem:$0xE100] =	vst v63  }
0x6b: {  	_ =	swait.ge [sflag:s25], $0x6400  }
0x6c: {  	[sflag:s25] =	ssyncset.done $0x0  }
0x6d: {  	s0 =	sadd.s32 s31, s15;
	[sflag:s25] =	ssyncadd.s32 $0xFFFF9C00  }
0x6e: {  	[tilespmem:s2], [sflag:$0x5] =	stream.linear.gather [hbm4b:s0+s2], $0x640, $0x38;
	[tilespmem:$0xE100] =	vst v63  }
0x6f: {  	_ =	swait.ge [sflag:s18], $0x640  }
0x70: {  	[sflag:s18] =	ssyncset.done $0x0  }
0x71: {  	s0 =	sadd.s32 s31, s14;
	[sflag:s18] =	ssyncadd.s32 $0xFFFFF9C0  }
0x72: {  	[tilespmem:s19], [sflag:$0x5] =	stream.linear.gather [hbm4b:s0+s2], $0x640, $0x38;
	[tilespmem:$0xE100] =	vst v63  }
0x73: {  	_ =	swait.ge [sflag:s18], $0x640  }
0x74: {  	[sflag:s18] =	ssyncset.done $0x0  }
.Ltmp0:
0x75: {  	[sflag:s18] =	ssyncadd.s32 $0xFFFFF9C0;
	(pc) =	sbr.rel @p0 .LBB2_2-.Ltmp0, $4  }
0x76: {  	[tilespmem:s21], [sflag:$0x1] =	stream.indirect.gather [hbm4b:s3+s20], $0x10, s2, s20, $0xb8;
	[tilespmem:$0xE100] =	vst v63  }
0x77: {  	_ =	swait.ge [sflag:s26], $0x6400  }
0x78: {  	[sflag:s26] =	ssyncset.done $0x0  }
0x79: {  	[sflag:s26] =	ssyncadd.s32 $0xFFFF9C00  }
0x7a: {  	[hbm4b:s4+s20] =	stream.indirect.scatter [tilespmem:s23], [sflag:$0x4], $0x10, s22, s20, $0xb8;
	[tilespmem:$0xE100] =	vst v63  }
0x7b: {  	_ =	swait.ge [sflag:s28], $0x6400  }
0x7c: {  	[sflag:s28] =	ssyncset.done $0x0  }
0x7d: {  	[sflag:s28] =	ssyncadd.s32 $0xFFFF9C00  }
0x7e: {  	[tilespmem:s20], [sflag:$0x5] =	stream.linear.gather [hbm4b:s12+s2], $0x640, $0x38;
	[tilespmem:$0xE100] =	vst v63  }
0x7f: {  	_ =	swait.ge [sflag:s18], $0x640  }
0x80: {  	[sflag:s18] =	ssyncset.done $0x0  }
0x81: {  	[sflag:s18] =	ssyncadd.s32 $0xFFFFF9C0  }
0x82: {  	[tilespmem:s22], [sflag:$0x5] =	stream.linear.gather [hbm4b:s13+s2], $0x640, $0x38;
	[tilespmem:$0xE100] =	vst v63  }
0x83: {  	_ =	swait.ge [sflag:s18], $0x640  }
0x84: {  	[sflag:s18] =	ssyncset.done $0x0  }
0x85: {  	[sflag:s18] =	ssyncadd.s32 $0xFFFFF9C0  }
0x86: {  	[tilespmem:s23], [sflag:$0x2] =	stream.indirect.gather [hbm4b:s3+s20], $0x10, s20, s20, $0xb8;
	[tilespmem:$0xE100] =	vst v63  }
0x87: {  	_ =	swait.ge [sflag:s24], $0x6400  }
0x88: {  	[sflag:s24] =	ssyncset.done $0x0  }
0x89: {  	[sflag:s24] =	ssyncadd.s32 $0xFFFF9C00  }
0x8a: {  	[hbm4b:s4+s20] =	stream.indirect.scatter [tilespmem:s21], [sflag:$0x3], $0x10, s19, s20, $0xb8;
	[tilespmem:$0xE100] =	vst v63  }
0x8b: {  	_ =	swait.ge [sflag:s25], $0x6400  }
0x8c: {  	[sflag:s25] =	ssyncset.done $0x0  }
0x8d: {  	[sflag:s25] =	ssyncadd.s32 $0xFFFF9C00  }
0x8e: {  	s29 =	sadd.s32 $0x1, s29;
	_ =	swait.ge [sflag:s26], $0x6400  }
0x8f: {  	p0 =	sne.s32 s29, s7;
	[sflag:s26] =	ssyncset.done $0x0  }
.Ltmp1:
0x90: {  	[sflag:s26] =	ssyncadd.s32 $0xFFFF9C00;
	(pc) =	sbr.rel @p0 .LBB2_1-.Ltmp1, $4  }
0x91: {  	[hbm4b:s4+s20] =	stream.indirect.scatter [tilespmem:s23], [sflag:$0x4], $0x10, s22, s20, $0xb8;
	[tilespmem:$0xE100] =	vst v63  }
0x92: {  	_ =	swait.ge [sflag:s28], $0x6400  }
0x93: {  	[sflag:s28] =	ssyncset.done $0x0  }
0x94: {  	[sflag:s28] =	ssyncadd.s32 $0xFFFF9C00  }
0x95: {  	_ =	sfence.sel $0x180000  }
0x96: {  	[bflag:$0x0] =	sbarrier.arrive $0xFFFF  }
0x97: {  	_ =	strace $0x90000047  }
0x98: {  	[bflag:$0x2] =	sbarrier.arrive $0xFFFF  }
0x99: {  	p0 =	sne.s32 s1, $0x0;
	s0 =	rddreg [dreg:$0x1]  }
0x9a: {  	s0 =	sadd.s32 @!p0 $0x100000, s0  }
0x9b: {  	[sflag:s0] =	ssyncadd.tile.s32 @!p0 $0x1;
	_ =	shalt  }
.Lfunc_end2:
_tile_overlayer_lowered:
.L_overlay_start_2:
0x9c: {  	(tag) =	ssettag $0x2  }
0x9d: {  	s0 =	rddreg [dreg:$0x0];
	s2 =	stileid.u32  }
0x9e: {  	s1 =	rddreg [dreg:$0x1];
	p0 =	sne.s32 s2, $0x0  }
0x9f: {  	s3 =	rddreg [dreg:$0x2];
	[bflag:$0x3] =	sbarrier.arrive $0xFFFF;
	s2 =	simm.s32 @!p0 $0x1C05  }
0xa0: {  	[timem:s3], [sflag:s2] =	dma.local @!p0 [hbm:s0], s1  }
0xa1: {  	s0 =	simm.s32 @!p0 $0x5  }
0xa2: {  	_ =	swait.ge @!p0 [sflag:s0], s1  }
0xa3: {  	s1 =	ssub.s32 @!p0 $0x0, s1;
	[sflag:s0] =	ssyncset.done @!p0 $0x0  }
0xa4: {  	[sflag:s0] =	ssyncadd.s32 @!p0 s1  }
0xa5: {  	[bflag:$0x3] =	sbarrier.arrive $0xFFFF  }
0xa6: {  	_ =	shalt  }

</sc_bundles>
